<compile_context>
chip_gen: v7x
topology: tpu7x:2x2x1
jax: 0.10.2.dev20260603
libtpu: 0.0.44.dev20260713+nightly
codegen_flags: <defaults>
</compile_context>

<pallas_src>
import functools

import jax
import jax.numpy as jnp
from jax import lax
from jax.experimental import pallas as pl
from jax.experimental.pallas import tpu as pltpu
from jax.experimental.pallas import tpu_sc as plsc

NUM_WORKERS = 32
NBUF = 5


def _build_sc_gather(b: int, h: int, d: int):
    b_per_w = b // NUM_WORKERS
    mesh = plsc.VectorSubcoreMesh(core_axis_name="c", subcore_axis_name="s")

    depth = 3
    assert h % NBUF == 0

    @functools.partial(
        pl.kernel,
        mesh=mesh,
        out_type=jax.ShapeDtypeStruct((h * NUM_WORKERS, b_per_w, d), jnp.float32),
        scratch_types=[
            pltpu.VMEM((h, b_per_w), jnp.int32),
        ]
        + [pltpu.VMEM((b_per_w, d), jnp.float32) for _ in range(NBUF)]
        + [pltpu.SemaphoreType.DMA for _ in range(2 * NBUF)],
    )
    def sc_gather(idx_hbm, table_hbm, out_hbm, idx_v, *bufs_and_sems):
        bufs = bufs_and_sems[:NBUF]
        gsems = bufs_and_sems[NBUF : 2 * NBUF]
        osems = bufs_and_sems[2 * NBUF :]
        wid = lax.axis_index("s") * 2 + lax.axis_index("c")
        pltpu.sync_copy(idx_hbm.at[:, wid], idx_v)
        for r in range(min(depth, h)):
            pltpu.async_copy(table_hbm.at[idx_v.at[r]], bufs[r], gsems[r])

        @pl.loop(0, h // NBUF)
        def _group(g):
            for j in range(NBUF):
                c = g * NBUF + j
                pltpu.make_async_copy(
                    table_hbm.at[idx_v.at[c]], bufs[j], gsems[j]
                ).wait()
                pltpu.async_copy(bufs[j], out_hbm.at[c * NUM_WORKERS + wid], osems[j])
                nxt = c + depth
                s2 = (j + depth) % NBUF

                @pl.when(jnp.logical_and(nxt < h, nxt >= NBUF))
                def _wait_out():
                    pltpu.make_async_copy(
                        bufs[s2],
                        out_hbm.at[(nxt - NBUF) * NUM_WORKERS + wid],
                        osems[s2],
                    ).wait()

                @pl.when(nxt < h)
                def _issue_gather():
                    pltpu.async_copy(table_hbm.at[idx_v.at[nxt]], bufs[s2], gsems[s2])

        for r in range(max(0, h - NBUF), h):
            s = r % NBUF
            pltpu.make_async_copy(
                bufs[s], out_hbm.at[r * NUM_WORKERS + wid], osems[s]
            ).wait()

    return sc_gather


def kernel(input_ids, word_embeddings):
    b, h = input_ids.shape
    v, d = word_embeddings.shape
    b_per_w = b // NUM_WORKERS
    idx = input_ids.T.reshape(h, NUM_WORKERS, b_per_w).astype(jnp.int32)
    out = _build_sc_gather(b, h, d)(idx, word_embeddings)
    return out.reshape(h, b, d).transpose(1, 0, 2)

# --- scband reference (transcript-rebuilt; emitter-appended) ---
"""Pipeline reference for scband-pre-embeddings-9904194584812 (READ-ONLY COPY).

The authoritative reference and input builder live on the scoring server;
editing this copy changes nothing except your own understanding.
"""

import jax, jax.numpy as jnp
import numpy as np

VOCAB = 100000
EMBED_DIM = 128
BATCH = 4096
HIST = 50

def setup_inputs(seed: int = 0) -> dict:
    key = jax.random.key(seed)
    k1, k2 = jax.random.split(key)
    input_ids = jax.random.randint(k1, (BATCH, HIST), 0, VOCAB, dtype=jnp.int64 if jax.config.read('jax_enable_x64') else jnp.int32)
    word_embeddings = jax.random.normal(k2, (VOCAB, EMBED_DIM), dtype=jnp.float32)
    return {"input_ids": input_ids, "word_embeddings": word_embeddings}

def reference(input_ids, word_embeddings):
    # PreEmbeddings.forward: embedding lookup from pretrained (frozen) table,
    # followed by dropout (identity in eval mode).
    embeddings = jnp.take(word_embeddings, input_ids, axis=0)
    return embeddings

if __name__ == "__main__":
    import jax
    _d = setup_inputs()
    print(jax.jit(kernel)(*tuple(_d.values())))

</pallas_src>

<mosaic_0001>
#map = affine_map<(d0, d1) -> (0, 0, 0)>
#map1 = affine_map<(d0, d1) -> (0, 0)>
module attributes {stable_mosaic.version = 14 : i64} {
  func.func @sc_gather(%arg0: i32, %arg1: i32, %arg2: memref<50x32x128xi32, #tpu.memory_space<hbm>>, %arg3: memref<100000x128xf32, #tpu.memory_space<hbm>>, %arg4: memref<1600x128x128xf32, #tpu.memory_space<hbm>>, %arg5: memref<50x128xi32, #tpu.memory_space<vmem>>, %arg6: memref<128x128xf32, #tpu.memory_space<vmem>>, %arg7: memref<128x128xf32, #tpu.memory_space<vmem>>, %arg8: memref<128x128xf32, #tpu.memory_space<vmem>>, %arg9: memref<128x128xf32, #tpu.memory_space<vmem>>, %arg10: memref<128x128xf32, #tpu.memory_space<vmem>>, %arg11: memref<!tpu.dma_semaphore, #tpu.memory_space<semaphore_mem>>, %arg12: memref<!tpu.dma_semaphore, #tpu.memory_space<semaphore_mem>>, %arg13: memref<!tpu.dma_semaphore, #tpu.memory_space<semaphore_mem>>, %arg14: memref<!tpu.dma_semaphore, #tpu.memory_space<semaphore_mem>>, %arg15: memref<!tpu.dma_semaphore, #tpu.memory_space<semaphore_mem>>, %arg16: memref<!tpu.dma_semaphore, #tpu.memory_space<semaphore_mem>>, %arg17: memref<!tpu.dma_semaphore, #tpu.memory_space<semaphore_mem>>, %arg18: memref<!tpu.dma_semaphore, #tpu.memory_space<semaphore_mem>>, %arg19: memref<!tpu.dma_semaphore, #tpu.memory_space<semaphore_mem>>, %arg20: memref<!tpu.dma_semaphore, #tpu.memory_space<semaphore_mem>>) attributes {dimension_semantics = [#tpu.dimension_semantics<core_parallel>, #tpu.dimension_semantics<subcore_parallel>], iteration_bounds = array<i64: 2, 16>, scalar_prefetch = 0 : i64, scratch_operands = 16 : i64, tpu.core_type = #tpu.core_type<sc_vector_subcore>, window_params = [{transform_indices = #map}, {transform_indices = #map1}, {transform_indices = #map}]} {
    %mul3A = arith.constant 2 : i32
    %mul3A_0 = arith.muli %arg1, %mul3A : i32
    %add3A = arith.addi %mul3A_0, %arg0 : i32
    "tpu.region"() ({
      %run_scoped3A = tpu.sem_alloc : memref<!tpu.dma_semaphore, #tpu.memory_space<semaphore_mem>>
      %dma_start3A_74 = arith.constant 0 : i32
      %dma_start3A_75 = arith.constant 0 : i32
      %dma_start3A_76 = tpu.memref_slice %arg2[%dma_start3A_74, %add3A, %dma_start3A_75] : memref<50x32x128xi32, #tpu.memory_space<hbm>> -> memref<50x1x128xi32, #tpu.memory_space<hbm>>
      %dma_start3A_77 = tpu.memref_squeeze %dma_start3A_76 : memref<50x1x128xi32, #tpu.memory_space<hbm>> -> memref<50x128xi32, #tpu.memory_space<hbm>>
      %dma_start3A_78 = arith.constant 0 : i32
      %dma_start3A_79 = arith.constant 0 : i32
      %dma_start3A_80 = tpu.memref_slice %arg2[%dma_start3A_78, %add3A, %dma_start3A_79] : memref<50x32x128xi32, #tpu.memory_space<hbm>> -> memref<50x1x128xi32, #tpu.memory_space<hbm>>
      %dma_start3A_81 = tpu.memref_squeeze %dma_start3A_80 : memref<50x1x128xi32, #tpu.memory_space<hbm>> -> memref<50x128xi32, #tpu.memory_space<hbm>>
      tpu.enqueue_dma source(%dma_start3A_81 : memref<50x128xi32, #tpu.memory_space<hbm>>) target(%arg5 : memref<50x128xi32, #tpu.memory_space<vmem>>) target_semaphore(%run_scoped3A : memref<!tpu.dma_semaphore, #tpu.memory_space<semaphore_mem>>)
      %dma_wait3A_82 = arith.constant 0 : i32
      %dma_wait3A_83 = arith.constant 0 : i32
      %dma_wait3A_84 = tpu.memref_slice %arg2[%dma_wait3A_82, %add3A, %dma_wait3A_83] : memref<50x32x128xi32, #tpu.memory_space<hbm>> -> memref<50x1x128xi32, #tpu.memory_space<hbm>>
      %dma_wait3A_85 = tpu.memref_squeeze %dma_wait3A_84 : memref<50x1x128xi32, #tpu.memory_space<hbm>> -> memref<50x128xi32, #tpu.memory_space<hbm>>
      %dma_wait3A_86 = arith.constant 0 : i32
      %dma_wait3A_87 = arith.constant 0 : i32
      %dma_wait3A_88 = tpu.memref_slice %arg2[%dma_wait3A_86, %add3A, %dma_wait3A_87] : memref<50x32x128xi32, #tpu.memory_space<hbm>> -> memref<50x1x128xi32, #tpu.memory_space<hbm>>
      %dma_wait3A_89 = tpu.memref_squeeze %dma_wait3A_88 : memref<50x1x128xi32, #tpu.memory_space<hbm>> -> memref<50x128xi32, #tpu.memory_space<hbm>>
      tpu.wait_dma2 semaphore(%run_scoped3A : memref<!tpu.dma_semaphore, #tpu.memory_space<semaphore_mem>>) src(%dma_wait3A_89 : memref<50x128xi32, #tpu.memory_space<hbm>>) dst(%arg5 : memref<50x128xi32, #tpu.memory_space<vmem>>)
      tpu.yield
    }) : () -> ()
    %dma_start3A = arith.constant 0 : i32
    %dma_start3A_1 = arith.constant 0 : i32
    %dma_start3A_2 = tpu.memref_slice %arg5[%dma_start3A, %dma_start3A_1] : memref<50x128xi32, #tpu.memory_space<vmem>> -> memref<1x128xi32, #tpu.memory_space<vmem>>
    %dma_start3A_3 = tpu.memref_squeeze %dma_start3A_2 : memref<1x128xi32, #tpu.memory_space<vmem>> -> memref<128xi32, #tpu.memory_space<vmem>>
    %dma_start3A_4 = arith.constant 0 : i32
    %dma_start3A_5 = arith.constant 0 : i32
    %dma_start3A_6 = tpu.memref_slice %arg3[%dma_start3A_4, %dma_start3A_5] : memref<100000x128xf32, #tpu.memory_space<hbm>> -> memref<100000x128xf32, #tpu.memory_space<hbm>>
    tpu.enqueue_indirect_dma source(%dma_start3A_6 : memref<100000x128xf32, #tpu.memory_space<hbm>>) target(%arg6 : memref<128x128xf32, #tpu.memory_space<vmem>>) offsets(%dma_start3A_3 : memref<128xi32, #tpu.memory_space<vmem>>) semaphore(%arg11 : memref<!tpu.dma_semaphore, #tpu.memory_space<semaphore_mem>>)
    %dma_start3A_7 = arith.constant 1 : i32
    %dma_start3A_8 = arith.constant 0 : i32
    %dma_start3A_9 = tpu.memref_slice %arg5[%dma_start3A_7, %dma_start3A_8] : memref<50x128xi32, #tpu.memory_space<vmem>> -> memref<1x128xi32, #tpu.memory_space<vmem>>
    %dma_start3A_10 = tpu.memref_squeeze %dma_start3A_9 : memref<1x128xi32, #tpu.memory_space<vmem>> -> memref<128xi32, #tpu.memory_space<vmem>>
    %dma_start3A_11 = arith.constant 0 : i32
    %dma_start3A_12 = arith.constant 0 : i32
    %dma_start3A_13 = tpu.memref_slice %arg3[%dma_start3A_11, %dma_start3A_12] : memref<100000x128xf32, #tpu.memory_space<hbm>> -> memref<100000x128xf32, #tpu.memory_space<hbm>>
    tpu.enqueue_indirect_dma source(%dma_start3A_13 : memref<100000x128xf32, #tpu.memory_space<hbm>>) target(%arg7 : memref<128x128xf32, #tpu.memory_space<vmem>>) offsets(%dma_start3A_10 : memref<128xi32, #tpu.memory_space<vmem>>) semaphore(%arg12 : memref<!tpu.dma_semaphore, #tpu.memory_space<semaphore_mem>>)
    %dma_start3A_14 = arith.constant 2 : i32
    %dma_start3A_15 = arith.constant 0 : i32
    %dma_start3A_16 = tpu.memref_slice %arg5[%dma_start3A_14, %dma_start3A_15] : memref<50x128xi32, #tpu.memory_space<vmem>> -> memref<1x128xi32, #tpu.memory_space<vmem>>
    %dma_start3A_17 = tpu.memref_squeeze %dma_start3A_16 : memref<1x128xi32, #tpu.memory_space<vmem>> -> memref<128xi32, #tpu.memory_space<vmem>>
    %dma_start3A_18 = arith.constant 0 : i32
    %dma_start3A_19 = arith.constant 0 : i32
    %dma_start3A_20 = tpu.memref_slice %arg3[%dma_start3A_18, %dma_start3A_19] : memref<100000x128xf32, #tpu.memory_space<hbm>> -> memref<100000x128xf32, #tpu.memory_space<hbm>>
    tpu.enqueue_indirect_dma source(%dma_start3A_20 : memref<100000x128xf32, #tpu.memory_space<hbm>>) target(%arg8 : memref<128x128xf32, #tpu.memory_space<vmem>>) offsets(%dma_start3A_17 : memref<128xi32, #tpu.memory_space<vmem>>) semaphore(%arg13 : memref<!tpu.dma_semaphore, #tpu.memory_space<semaphore_mem>>)
    %scan3A = arith.constant 0 : i32
    %scan3A_21 = arith.constant 10 : i32
    %scan3A_22 = arith.addi %scan3A, %scan3A_21 : i32
    %scan3A_23 = arith.constant 1 : i32
    scf.for %scan3A_74 = %scan3A to %scan3A_22 step %scan3A_23  : i32 {
      %mul3A_75 = arith.constant 1 : i32
      %mul3A_76 = arith.muli %scan3A_74, %mul3A_75 : i32
      %add3A_77 = arith.constant 0 : i32
      %add3A_78 = arith.addi %add3A_77, %mul3A_76 : i32
      %mul3A_79 = arith.constant 5 : i32
      %mul3A_80 = arith.muli %add3A_78, %mul3A_79 : i32
      %add3A_81 = arith.constant 0 : i32
      %add3A_82 = arith.addi %mul3A_80, %add3A_81 : i32
      %dma_wait3A_83 = arith.constant 0 : i32
      %dma_wait3A_84 = tpu.memref_slice %arg5[%add3A_82, %dma_wait3A_83] : memref<50x128xi32, #tpu.memory_space<vmem>> -> memref<1x128xi32, #tpu.memory_space<vmem>>
      %dma_wait3A_85 = tpu.memref_squeeze %dma_wait3A_84 : memref<1x128xi32, #tpu.memory_space<vmem>> -> memref<128xi32, #tpu.memory_space<vmem>>
      %dma_wait3A_86 = arith.constant 0 : i32
      %dma_wait3A_87 = arith.constant 0 : i32
      %dma_wait3A_88 = tpu.memref_slice %arg3[%dma_wait3A_86, %dma_wait3A_87] : memref<100000x128xf32, #tpu.memory_space<hbm>> -> memref<100000x128xf32, #tpu.memory_space<hbm>>
      tpu.wait_indirect_dma semaphore(%arg11 : memref<!tpu.dma_semaphore, #tpu.memory_space<semaphore_mem>>) src(%dma_wait3A_88 : memref<100000x128xf32, #tpu.memory_space<hbm>>) dst(%arg6 : memref<128x128xf32, #tpu.memory_space<vmem>>)
      %mul3A_89 = arith.constant 32 : i32
      %mul3A_90 = arith.muli %add3A_82, %mul3A_89 : i32
      %add3A_91 = arith.addi %mul3A_90, %add3A : i32
      %dma_start3A_92 = arith.constant 0 : i32
      %dma_start3A_93 = arith.constant 0 : i32
      %dma_start3A_94 = tpu.memref_slice %arg4[%add3A_91, %dma_start3A_92, %dma_start3A_93] : memref<1600x128x128xf32, #tpu.memory_space<hbm>> -> memref<1x128x128xf32, #tpu.memory_space<hbm>>
      %dma_start3A_95 = tpu.memref_squeeze %dma_start3A_94 : memref<1x128x128xf32, #tpu.memory_space<hbm>> -> memref<128x128xf32, #tpu.memory_space<hbm>>
      %dma_start3A_96 = arith.constant 0 : i32
      %dma_start3A_97 = arith.constant 0 : i32
      %dma_start3A_98 = tpu.memref_slice %arg4[%add3A_91, %dma_start3A_96, %dma_start3A_97] : memref<1600x128x128xf32, #tpu.memory_space<hbm>> -> memref<1x128x128xf32, #tpu.memory_space<hbm>>
      %dma_start3A_99 = tpu.memref_squeeze %dma_start3A_98 : memref<1x128x128xf32, #tpu.memory_space<hbm>> -> memref<128x128xf32, #tpu.memory_space<hbm>>
      tpu.enqueue_dma source(%arg6 : memref<128x128xf32, #tpu.memory_space<vmem>>) target(%dma_start3A_99 : memref<128x128xf32, #tpu.memory_space<hbm>>) target_semaphore(%arg16 : memref<!tpu.dma_semaphore, #tpu.memory_space<semaphore_mem>>)
      %add3A_100 = arith.constant 3 : i32
      %add3A_101 = arith.addi %add3A_82, %add3A_100 : i32
      %lt3A = arith.constant 50 : i32
      %lt3A_102 = arith.cmpi slt, %add3A_101, %lt3A : i32
      %ge3A = arith.constant 5 : i32
      %ge3A_103 = arith.cmpi sge, %add3A_101, %ge3A : i32
      %and3A = arith.andi %lt3A_102, %ge3A_103 : i1
      %convert_element_type3A = arith.extui %and3A : i1 to i32
      %cond3A = arith.constant 0 : i32
      %cond3A_104 = arith.cmpi ne, %convert_element_type3A, %cond3A : i32
      scf.if %cond3A_104 {
        %sub3A = arith.constant 5 : i32
        %sub3A_254 = arith.subi %add3A_101, %sub3A : i32
        %mul3A_255 = arith.constant 32 : i32
        %mul3A_256 = arith.muli %sub3A_254, %mul3A_255 : i32
        %add3A_257 = arith.addi %mul3A_256, %add3A : i32
        %dma_wait3A_258 = arith.constant 0 : i32
        %dma_wait3A_259 = arith.constant 0 : i32
        %dma_wait3A_260 = tpu.memref_slice %arg4[%add3A_257, %dma_wait3A_258, %dma_wait3A_259] : memref<1600x128x128xf32, #tpu.memory_space<hbm>> -> memref<1x128x128xf32, #tpu.memory_space<hbm>>
        %dma_wait3A_261 = tpu.memref_squeeze %dma_wait3A_260 : memref<1x128x128xf32, #tpu.memory_space<hbm>> -> memref<128x128xf32, #tpu.memory_space<hbm>>
        %dma_wait3A_262 = arith.constant 0 : i32
        %dma_wait3A_263 = arith.constant 0 : i32
        %dma_wait3A_264 = tpu.memref_slice %arg4[%add3A_257, %dma_wait3A_262, %dma_wait3A_263] : memref<1600x128x128xf32, #tpu.memory_space<hbm>> -> memref<1x128x128xf32, #tpu.memory_space<hbm>>
        %dma_wait3A_265 = tpu.memref_squeeze %dma_wait3A_264 : memref<1x128x128xf32, #tpu.memory_space<hbm>> -> memref<128x128xf32, #tpu.memory_space<hbm>>
        tpu.wait_dma2 semaphore(%arg19 : memref<!tpu.dma_semaphore, #tpu.memory_space<semaphore_mem>>) src(%arg9 : memref<128x128xf32, #tpu.memory_space<vmem>>) dst(%dma_wait3A_265 : memref<128x128xf32, #tpu.memory_space<hbm>>)
      } else {
      }
      %lt3A_105 = arith.constant 50 : i32
      %lt3A_106 = arith.cmpi slt, %add3A_101, %lt3A_105 : i32
      %convert_element_type3A_107 = arith.extui %lt3A_106 : i1 to i32
      %cond3A_108 = arith.constant 0 : i32
      %cond3A_109 = arith.cmpi ne, %convert_element_type3A_107, %cond3A_108 : i32
      scf.if %cond3A_109 {
        %dma_start3A_254 = arith.constant 0 : i32
        %dma_start3A_255 = tpu.memref_slice %arg5[%add3A_101, %dma_start3A_254] : memref<50x128xi32, #tpu.memory_space<vmem>> -> memref<1x128xi32, #tpu.memory_space<vmem>>
        %dma_start3A_256 = tpu.memref_squeeze %dma_start3A_255 : memref<1x128xi32, #tpu.memory_space<vmem>> -> memref<128xi32, #tpu.memory_space<vmem>>
        %dma_start3A_257 = arith.constant 0 : i32
        %dma_start3A_258 = arith.constant 0 : i32
        %dma_start3A_259 = tpu.memref_slice %arg3[%dma_start3A_257, %dma_start3A_258] : memref<100000x128xf32, #tpu.memory_space<hbm>> -> memref<100000x128xf32, #tpu.memory_space<hbm>>
        tpu.enqueue_indirect_dma source(%dma_start3A_259 : memref<100000x128xf32, #tpu.memory_space<hbm>>) target(%arg9 : memref<128x128xf32, #tpu.memory_space<vmem>>) offsets(%dma_start3A_256 : memref<128xi32, #tpu.memory_space<vmem>>) semaphore(%arg14 : memref<!tpu.dma_semaphore, #tpu.memory_space<semaphore_mem>>)
      } else {
      }
      %mul3A_110 = arith.constant 5 : i32
      %mul3A_111 = arith.muli %add3A_78, %mul3A_110 : i32
      %add3A_112 = arith.constant 1 : i32
      %add3A_113 = arith.addi %mul3A_111, %add3A_112 : i32
      %dma_wait3A_114 = arith.constant 0 : i32
      %dma_wait3A_115 = tpu.memref_slice %arg5[%add3A_113, %dma_wait3A_114] : memref<50x128xi32, #tpu.memory_space<vmem>> -> memref<1x128xi32, #tpu.memory_space<vmem>>
      %dma_wait3A_116 = tpu.memref_squeeze %dma_wait3A_115 : memref<1x128xi32, #tpu.memory_space<vmem>> -> memref<128xi32, #tpu.memory_space<vmem>>
      %dma_wait3A_117 = arith.constant 0 : i32
      %dma_wait3A_118 = arith.constant 0 : i32
      %dma_wait3A_119 = tpu.memref_slice %arg3[%dma_wait3A_117, %dma_wait3A_118] : memref<100000x128xf32, #tpu.memory_space<hbm>> -> memref<100000x128xf32, #tpu.memory_space<hbm>>
      tpu.wait_indirect_dma semaphore(%arg12 : memref<!tpu.dma_semaphore, #tpu.memory_space<semaphore_mem>>) src(%dma_wait3A_119 : memref<100000x128xf32, #tpu.memory_space<hbm>>) dst(%arg7 : memref<128x128xf32, #tpu.memory_space<vmem>>)
      %mul3A_120 = arith.constant 32 : i32
      %mul3A_121 = arith.muli %add3A_113, %mul3A_120 : i32
      %add3A_122 = arith.addi %mul3A_121, %add3A : i32
      %dma_start3A_123 = arith.constant 0 : i32
      %dma_start3A_124 = arith.constant 0 : i32
      %dma_start3A_125 = tpu.memref_slice %arg4[%add3A_122, %dma_start3A_123, %dma_start3A_124] : memref<1600x128x128xf32, #tpu.memory_space<hbm>> -> memref<1x128x128xf32, #tpu.memory_space<hbm>>
      %dma_start3A_126 = tpu.memref_squeeze %dma_start3A_125 : memref<1x128x128xf32, #tpu.memory_space<hbm>> -> memref<128x128xf32, #tpu.memory_space<hbm>>
      %dma_start3A_127 = arith.constant 0 : i32
      %dma_start3A_128 = arith.constant 0 : i32
      %dma_start3A_129 = tpu.memref_slice %arg4[%add3A_122, %dma_start3A_127, %dma_start3A_128] : memref<1600x128x128xf32, #tpu.memory_space<hbm>> -> memref<1x128x128xf32, #tpu.memory_space<hbm>>
      %dma_start3A_130 = tpu.memref_squeeze %dma_start3A_129 : memref<1x128x128xf32, #tpu.memory_space<hbm>> -> memref<128x128xf32, #tpu.memory_space<hbm>>
      tpu.enqueue_dma source(%arg7 : memref<128x128xf32, #tpu.memory_space<vmem>>) target(%dma_start3A_130 : memref<128x128xf32, #tpu.memory_space<hbm>>) target_semaphore(%arg17 : memref<!tpu.dma_semaphore, #tpu.memory_space<semaphore_mem>>)
      %add3A_131 = arith.constant 3 : i32
      %add3A_132 = arith.addi %add3A_113, %add3A_131 : i32
      %lt3A_133 = arith.constant 50 : i32
      %lt3A_134 = arith.cmpi slt, %add3A_132, %lt3A_133 : i32
      %ge3A_135 = arith.constant 5 : i32
      %ge3A_136 = arith.cmpi sge, %add3A_132, %ge3A_135 : i32
      %and3A_137 = arith.andi %lt3A_134, %ge3A_136 : i1
      %convert_element_type3A_138 = arith.extui %and3A_137 : i1 to i32
      %cond3A_139 = arith.constant 0 : i32
      %cond3A_140 = arith.cmpi ne, %convert_element_type3A_138, %cond3A_139 : i32
      scf.if %cond3A_140 {
        %sub3A = arith.constant 5 : i32
        %sub3A_254 = arith.subi %add3A_132, %sub3A : i32
        %mul3A_255 = arith.constant 32 : i32
        %mul3A_256 = arith.muli %sub3A_254, %mul3A_255 : i32
        %add3A_257 = arith.addi %mul3A_256, %add3A : i32
        %dma_wait3A_258 = arith.constant 0 : i32
        %dma_wait3A_259 = arith.constant 0 : i32
        %dma_wait3A_260 = tpu.memref_slice %arg4[%add3A_257, %dma_wait3A_258, %dma_wait3A_259] : memref<1600x128x128xf32, #tpu.memory_space<hbm>> -> memref<1x128x128xf32, #tpu.memory_space<hbm>>
        %dma_wait3A_261 = tpu.memref_squeeze %dma_wait3A_260 : memref<1x128x128xf32, #tpu.memory_space<hbm>> -> memref<128x128xf32, #tpu.memory_space<hbm>>
        %dma_wait3A_262 = arith.constant 0 : i32
        %dma_wait3A_263 = arith.constant 0 : i32
        %dma_wait3A_264 = tpu.memref_slice %arg4[%add3A_257, %dma_wait3A_262, %dma_wait3A_263] : memref<1600x128x128xf32, #tpu.memory_space<hbm>> -> memref<1x128x128xf32, #tpu.memory_space<hbm>>
        %dma_wait3A_265 = tpu.memref_squeeze %dma_wait3A_264 : memref<1x128x128xf32, #tpu.memory_space<hbm>> -> memref<128x128xf32, #tpu.memory_space<hbm>>
        tpu.wait_dma2 semaphore(%arg20 : memref<!tpu.dma_semaphore, #tpu.memory_space<semaphore_mem>>) src(%arg10 : memref<128x128xf32, #tpu.memory_space<vmem>>) dst(%dma_wait3A_265 : memref<128x128xf32, #tpu.memory_space<hbm>>)
      } else {
      }
      %lt3A_141 = arith.constant 50 : i32
      %lt3A_142 = arith.cmpi slt, %add3A_132, %lt3A_141 : i32
      %convert_element_type3A_143 = arith.extui %lt3A_142 : i1 to i32
      %cond3A_144 = arith.constant 0 : i32
      %cond3A_145 = arith.cmpi ne, %convert_element_type3A_143, %cond3A_144 : i32
      scf.if %cond3A_145 {
        %dma_start3A_254 = arith.constant 0 : i32
        %dma_start3A_255 = tpu.memref_slice %arg5[%add3A_132, %dma_start3A_254] : memref<50x128xi32, #tpu.memory_space<vmem>> -> memref<1x128xi32, #tpu.memory_space<vmem>>
        %dma_start3A_256 = tpu.memref_squeeze %dma_start3A_255 : memref<1x128xi32, #tpu.memory_space<vmem>> -> memref<128xi32, #tpu.memory_space<vmem>>
        %dma_start3A_257 = arith.constant 0 : i32
        %dma_start3A_258 = arith.constant 0 : i32
        %dma_start3A_259 = tpu.memref_slice %arg3[%dma_start3A_257, %dma_start3A_258] : memref<100000x128xf32, #tpu.memory_space<hbm>> -> memref<100000x128xf32, #tpu.memory_space<hbm>>
        tpu.enqueue_indirect_dma source(%dma_start3A_259 : memref<100000x128xf32, #tpu.memory_space<hbm>>) target(%arg10 : memref<128x128xf32, #tpu.memory_space<vmem>>) offsets(%dma_start3A_256 : memref<128xi32, #tpu.memory_space<vmem>>) semaphore(%arg15 : memref<!tpu.dma_semaphore, #tpu.memory_space<semaphore_mem>>)
      } else {
      }
      %mul3A_146 = arith.constant 5 : i32
      %mul3A_147 = arith.muli %add3A_78, %mul3A_146 : i32
      %add3A_148 = arith.constant 2 : i32
      %add3A_149 = arith.addi %mul3A_147, %add3A_148 : i32
      %dma_wait3A_150 = arith.constant 0 : i32
      %dma_wait3A_151 = tpu.memref_slice %arg5[%add3A_149, %dma_wait3A_150] : memref<50x128xi32, #tpu.memory_space<vmem>> -> memref<1x128xi32, #tpu.memory_space<vmem>>
      %dma_wait3A_152 = tpu.memref_squeeze %dma_wait3A_151 : memref<1x128xi32, #tpu.memory_space<vmem>> -> memref<128xi32, #tpu.memory_space<vmem>>
      %dma_wait3A_153 = arith.constant 0 : i32
      %dma_wait3A_154 = arith.constant 0 : i32
      %dma_wait3A_155 = tpu.memref_slice %arg3[%dma_wait3A_153, %dma_wait3A_154] : memref<100000x128xf32, #tpu.memory_space<hbm>> -> memref<100000x128xf32, #tpu.memory_space<hbm>>
      tpu.wait_indirect_dma semaphore(%arg13 : memref<!tpu.dma_semaphore, #tpu.memory_space<semaphore_mem>>) src(%dma_wait3A_155 : memref<100000x128xf32, #tpu.memory_space<hbm>>) dst(%arg8 : memref<128x128xf32, #tpu.memory_space<vmem>>)
      %mul3A_156 = arith.constant 32 : i32
      %mul3A_157 = arith.muli %add3A_149, %mul3A_156 : i32
      %add3A_158 = arith.addi %mul3A_157, %add3A : i32
      %dma_start3A_159 = arith.constant 0 : i32
      %dma_start3A_160 = arith.constant 0 : i32
      %dma_start3A_161 = tpu.memref_slice %arg4[%add3A_158, %dma_start3A_159, %dma_start3A_160] : memref<1600x128x128xf32, #tpu.memory_space<hbm>> -> memref<1x128x128xf32, #tpu.memory_space<hbm>>
      %dma_start3A_162 = tpu.memref_squeeze %dma_start3A_161 : memref<1x128x128xf32, #tpu.memory_space<hbm>> -> memref<128x128xf32, #tpu.memory_space<hbm>>
      %dma_start3A_163 = arith.constant 0 : i32
      %dma_start3A_164 = arith.constant 0 : i32
      %dma_start3A_165 = tpu.memref_slice %arg4[%add3A_158, %dma_start3A_163, %dma_start3A_164] : memref<1600x128x128xf32, #tpu.memory_space<hbm>> -> memref<1x128x128xf32, #tpu.memory_space<hbm>>
      %dma_start3A_166 = tpu.memref_squeeze %dma_start3A_165 : memref<1x128x128xf32, #tpu.memory_space<hbm>> -> memref<128x128xf32, #tpu.memory_space<hbm>>
      tpu.enqueue_dma source(%arg8 : memref<128x128xf32, #tpu.memory_space<vmem>>) target(%dma_start3A_166 : memref<128x128xf32, #tpu.memory_space<hbm>>) target_semaphore(%arg18 : memref<!tpu.dma_semaphore, #tpu.memory_space<semaphore_mem>>)
      %add3A_167 = arith.constant 3 : i32
      %add3A_168 = arith.addi %add3A_149, %add3A_167 : i32
      %lt3A_169 = arith.constant 50 : i32
      %lt3A_170 = arith.cmpi slt, %add3A_168, %lt3A_169 : i32
      %ge3A_171 = arith.constant 5 : i32
      %ge3A_172 = arith.cmpi sge, %add3A_168, %ge3A_171 : i32
      %and3A_173 = arith.andi %lt3A_170, %ge3A_172 : i1
      %convert_element_type3A_174 = arith.extui %and3A_173 : i1 to i32
      %cond3A_175 = arith.constant 0 : i32
      %cond3A_176 = arith.cmpi ne, %convert_element_type3A_174, %cond3A_175 : i32
      scf.if %cond3A_176 {
        %sub3A = arith.constant 5 : i32
        %sub3A_254 = arith.subi %add3A_168, %sub3A : i32
        %mul3A_255 = arith.constant 32 : i32
        %mul3A_256 = arith.muli %sub3A_254, %mul3A_255 : i32
        %add3A_257 = arith.addi %mul3A_256, %add3A : i32
        %dma_wait3A_258 = arith.constant 0 : i32
        %dma_wait3A_259 = arith.constant 0 : i32
        %dma_wait3A_260 = tpu.memref_slice %arg4[%add3A_257, %dma_wait3A_258, %dma_wait3A_259] : memref<1600x128x128xf32, #tpu.memory_space<hbm>> -> memref<1x128x128xf32, #tpu.memory_space<hbm>>
        %dma_wait3A_261 = tpu.memref_squeeze %dma_wait3A_260 : memref<1x128x128xf32, #tpu.memory_space<hbm>> -> memref<128x128xf32, #tpu.memory_space<hbm>>
        %dma_wait3A_262 = arith.constant 0 : i32
        %dma_wait3A_263 = arith.constant 0 : i32
        %dma_wait3A_264 = tpu.memref_slice %arg4[%add3A_257, %dma_wait3A_262, %dma_wait3A_263] : memref<1600x128x128xf32, #tpu.memory_space<hbm>> -> memref<1x128x128xf32, #tpu.memory_space<hbm>>
        %dma_wait3A_265 = tpu.memref_squeeze %dma_wait3A_264 : memref<1x128x128xf32, #tpu.memory_space<hbm>> -> memref<128x128xf32, #tpu.memory_space<hbm>>
        tpu.wait_dma2 semaphore(%arg16 : memref<!tpu.dma_semaphore, #tpu.memory_space<semaphore_mem>>) src(%arg6 : memref<128x128xf32, #tpu.memory_space<vmem>>) dst(%dma_wait3A_265 : memref<128x128xf32, #tpu.memory_space<hbm>>)
      } else {
      }
      %lt3A_177 = arith.constant 50 : i32
      %lt3A_178 = arith.cmpi slt, %add3A_168, %lt3A_177 : i32
      %convert_element_type3A_179 = arith.extui %lt3A_178 : i1 to i32
      %cond3A_180 = arith.constant 0 : i32
      %cond3A_181 = arith.cmpi ne, %convert_element_type3A_179, %cond3A_180 : i32
      scf.if %cond3A_181 {
        %dma_start3A_254 = arith.constant 0 : i32
        %dma_start3A_255 = tpu.memref_slice %arg5[%add3A_168, %dma_start3A_254] : memref<50x128xi32, #tpu.memory_space<vmem>> -> memref<1x128xi32, #tpu.memory_space<vmem>>
        %dma_start3A_256 = tpu.memref_squeeze %dma_start3A_255 : memref<1x128xi32, #tpu.memory_space<vmem>> -> memref<128xi32, #tpu.memory_space<vmem>>
        %dma_start3A_257 = arith.constant 0 : i32
        %dma_start3A_258 = arith.constant 0 : i32
        %dma_start3A_259 = tpu.memref_slice %arg3[%dma_start3A_257, %dma_start3A_258] : memref<100000x128xf32, #tpu.memory_space<hbm>> -> memref<100000x128xf32, #tpu.memory_space<hbm>>
        tpu.enqueue_indirect_dma source(%dma_start3A_259 : memref<100000x128xf32, #tpu.memory_space<hbm>>) target(%arg6 : memref<128x128xf32, #tpu.memory_space<vmem>>) offsets(%dma_start3A_256 : memref<128xi32, #tpu.memory_space<vmem>>) semaphore(%arg11 : memref<!tpu.dma_semaphore, #tpu.memory_space<semaphore_mem>>)
      } else {
      }
      %mul3A_182 = arith.constant 5 : i32
      %mul3A_183 = arith.muli %add3A_78, %mul3A_182 : i32
      %add3A_184 = arith.constant 3 : i32
      %add3A_185 = arith.addi %mul3A_183, %add3A_184 : i32
      %dma_wait3A_186 = arith.constant 0 : i32
      %dma_wait3A_187 = tpu.memref_slice %arg5[%add3A_185, %dma_wait3A_186] : memref<50x128xi32, #tpu.memory_space<vmem>> -> memref<1x128xi32, #tpu.memory_space<vmem>>
      %dma_wait3A_188 = tpu.memref_squeeze %dma_wait3A_187 : memref<1x128xi32, #tpu.memory_space<vmem>> -> memref<128xi32, #tpu.memory_space<vmem>>
      %dma_wait3A_189 = arith.constant 0 : i32
      %dma_wait3A_190 = arith.constant 0 : i32
      %dma_wait3A_191 = tpu.memref_slice %arg3[%dma_wait3A_189, %dma_wait3A_190] : memref<100000x128xf32, #tpu.memory_space<hbm>> -> memref<100000x128xf32, #tpu.memory_space<hbm>>
      tpu.wait_indirect_dma semaphore(%arg14 : memref<!tpu.dma_semaphore, #tpu.memory_space<semaphore_mem>>) src(%dma_wait3A_191 : memref<100000x128xf32, #tpu.memory_space<hbm>>) dst(%arg9 : memref<128x128xf32, #tpu.memory_space<vmem>>)
      %mul3A_192 = arith.constant 32 : i32
      %mul3A_193 = arith.muli %add3A_185, %mul3A_192 : i32
      %add3A_194 = arith.addi %mul3A_193, %add3A : i32
      %dma_start3A_195 = arith.constant 0 : i32
      %dma_start3A_196 = arith.constant 0 : i32
      %dma_start3A_197 = tpu.memref_slice %arg4[%add3A_194, %dma_start3A_195, %dma_start3A_196] : memref<1600x128x128xf32, #tpu.memory_space<hbm>> -> memref<1x128x128xf32, #tpu.memory_space<hbm>>
      %dma_start3A_198 = tpu.memref_squeeze %dma_start3A_197 : memref<1x128x128xf32, #tpu.memory_space<hbm>> -> memref<128x128xf32, #tpu.memory_space<hbm>>
      %dma_start3A_199 = arith.constant 0 : i32
      %dma_start3A_200 = arith.constant 0 : i32
      %dma_start3A_201 = tpu.memref_slice %arg4[%add3A_194, %dma_start3A_199, %dma_start3A_200] : memref<1600x128x128xf32, #tpu.memory_space<hbm>> -> memref<1x128x128xf32, #tpu.memory_space<hbm>>
      %dma_start3A_202 = tpu.memref_squeeze %dma_start3A_201 : memref<1x128x128xf32, #tpu.memory_space<hbm>> -> memref<128x128xf32, #tpu.memory_space<hbm>>
      tpu.enqueue_dma source(%arg9 : memref<128x128xf32, #tpu.memory_space<vmem>>) target(%dma_start3A_202 : memref<128x128xf32, #tpu.memory_space<hbm>>) target_semaphore(%arg19 : memref<!tpu.dma_semaphore, #tpu.memory_space<semaphore_mem>>)
      %add3A_203 = arith.constant 3 : i32
      %add3A_204 = arith.addi %add3A_185, %add3A_203 : i32
      %lt3A_205 = arith.constant 50 : i32
      %lt3A_206 = arith.cmpi slt, %add3A_204, %lt3A_205 : i32
      %ge3A_207 = arith.constant 5 : i32
      %ge3A_208 = arith.cmpi sge, %add3A_204, %ge3A_207 : i32
      %and3A_209 = arith.andi %lt3A_206, %ge3A_208 : i1
      %convert_element_type3A_210 = arith.extui %and3A_209 : i1 to i32
      %cond3A_211 = arith.constant 0 : i32
      %cond3A_212 = arith.cmpi ne, %convert_element_type3A_210, %cond3A_211 : i32
      scf.if %cond3A_212 {
        %sub3A = arith.constant 5 : i32
        %sub3A_254 = arith.subi %add3A_204, %sub3A : i32
        %mul3A_255 = arith.constant 32 : i32
        %mul3A_256 = arith.muli %sub3A_254, %mul3A_255 : i32
        %add3A_257 = arith.addi %mul3A_256, %add3A : i32
        %dma_wait3A_258 = arith.constant 0 : i32
        %dma_wait3A_259 = arith.constant 0 : i32
        %dma_wait3A_260 = tpu.memref_slice %arg4[%add3A_257, %dma_wait3A_258, %dma_wait3A_259] : memref<1600x128x128xf32, #tpu.memory_space<hbm>> -> memref<1x128x128xf32, #tpu.memory_space<hbm>>
        %dma_wait3A_261 = tpu.memref_squeeze %dma_wait3A_260 : memref<1x128x128xf32, #tpu.memory_space<hbm>> -> memref<128x128xf32, #tpu.memory_space<hbm>>
        %dma_wait3A_262 = arith.constant 0 : i32
        %dma_wait3A_263 = arith.constant 0 : i32
        %dma_wait3A_264 = tpu.memref_slice %arg4[%add3A_257, %dma_wait3A_262, %dma_wait3A_263] : memref<1600x128x128xf32, #tpu.memory_space<hbm>> -> memref<1x128x128xf32, #tpu.memory_space<hbm>>
        %dma_wait3A_265 = tpu.memref_squeeze %dma_wait3A_264 : memref<1x128x128xf32, #tpu.memory_space<hbm>> -> memref<128x128xf32, #tpu.memory_space<hbm>>
        tpu.wait_dma2 semaphore(%arg17 : memref<!tpu.dma_semaphore, #tpu.memory_space<semaphore_mem>>) src(%arg7 : memref<128x128xf32, #tpu.memory_space<vmem>>) dst(%dma_wait3A_265 : memref<128x128xf32, #tpu.memory_space<hbm>>)
      } else {
      }
      %lt3A_213 = arith.constant 50 : i32
      %lt3A_214 = arith.cmpi slt, %add3A_204, %lt3A_213 : i32
      %convert_element_type3A_215 = arith.extui %lt3A_214 : i1 to i32
      %cond3A_216 = arith.constant 0 : i32
      %cond3A_217 = arith.cmpi ne, %convert_element_type3A_215, %cond3A_216 : i32
      scf.if %cond3A_217 {
        %dma_start3A_254 = arith.constant 0 : i32
        %dma_start3A_255 = tpu.memref_slice %arg5[%add3A_204, %dma_start3A_254] : memref<50x128xi32, #tpu.memory_space<vmem>> -> memref<1x128xi32, #tpu.memory_space<vmem>>
        %dma_start3A_256 = tpu.memref_squeeze %dma_start3A_255 : memref<1x128xi32, #tpu.memory_space<vmem>> -> memref<128xi32, #tpu.memory_space<vmem>>
        %dma_start3A_257 = arith.constant 0 : i32
        %dma_start3A_258 = arith.constant 0 : i32
        %dma_start3A_259 = tpu.memref_slice %arg3[%dma_start3A_257, %dma_start3A_258] : memref<100000x128xf32, #tpu.memory_space<hbm>> -> memref<100000x128xf32, #tpu.memory_space<hbm>>
        tpu.enqueue_indirect_dma source(%dma_start3A_259 : memref<100000x128xf32, #tpu.memory_space<hbm>>) target(%arg7 : memref<128x128xf32, #tpu.memory_space<vmem>>) offsets(%dma_start3A_256 : memref<128xi32, #tpu.memory_space<vmem>>) semaphore(%arg12 : memref<!tpu.dma_semaphore, #tpu.memory_space<semaphore_mem>>)
      } else {
      }
      %mul3A_218 = arith.constant 5 : i32
      %mul3A_219 = arith.muli %add3A_78, %mul3A_218 : i32
      %add3A_220 = arith.constant 4 : i32
      %add3A_221 = arith.addi %mul3A_219, %add3A_220 : i32
      %dma_wait3A_222 = arith.constant 0 : i32
      %dma_wait3A_223 = tpu.memref_slice %arg5[%add3A_221, %dma_wait3A_222] : memref<50x128xi32, #tpu.memory_space<vmem>> -> memref<1x128xi32, #tpu.memory_space<vmem>>
      %dma_wait3A_224 = tpu.memref_squeeze %dma_wait3A_223 : memref<1x128xi32, #tpu.memory_space<vmem>> -> memref<128xi32, #tpu.memory_space<vmem>>
      %dma_wait3A_225 = arith.constant 0 : i32
      %dma_wait3A_226 = arith.constant 0 : i32
      %dma_wait3A_227 = tpu.memref_slice %arg3[%dma_wait3A_225, %dma_wait3A_226] : memref<100000x128xf32, #tpu.memory_space<hbm>> -> memref<100000x128xf32, #tpu.memory_space<hbm>>
      tpu.wait_indirect_dma semaphore(%arg15 : memref<!tpu.dma_semaphore, #tpu.memory_space<semaphore_mem>>) src(%dma_wait3A_227 : memref<100000x128xf32, #tpu.memory_space<hbm>>) dst(%arg10 : memref<128x128xf32, #tpu.memory_space<vmem>>)
      %mul3A_228 = arith.constant 32 : i32
      %mul3A_229 = arith.muli %add3A_221, %mul3A_228 : i32
      %add3A_230 = arith.addi %mul3A_229, %add3A : i32
      %dma_start3A_231 = arith.constant 0 : i32
      %dma_start3A_232 = arith.constant 0 : i32
      %dma_start3A_233 = tpu.memref_slice %arg4[%add3A_230, %dma_start3A_231, %dma_start3A_232] : memref<1600x128x128xf32, #tpu.memory_space<hbm>> -> memref<1x128x128xf32, #tpu.memory_space<hbm>>
      %dma_start3A_234 = tpu.memref_squeeze %dma_start3A_233 : memref<1x128x128xf32, #tpu.memory_space<hbm>> -> memref<128x128xf32, #tpu.memory_space<hbm>>
      %dma_start3A_235 = arith.constant 0 : i32
      %dma_start3A_236 = arith.constant 0 : i32
      %dma_start3A_237 = tpu.memref_slice %arg4[%add3A_230, %dma_start3A_235, %dma_start3A_236] : memref<1600x128x128xf32, #tpu.memory_space<hbm>> -> memref<1x128x128xf32, #tpu.memory_space<hbm>>
      %dma_start3A_238 = tpu.memref_squeeze %dma_start3A_237 : memref<1x128x128xf32, #tpu.memory_space<hbm>> -> memref<128x128xf32, #tpu.memory_space<hbm>>
      tpu.enqueue_dma source(%arg10 : memref<128x128xf32, #tpu.memory_space<vmem>>) target(%dma_start3A_238 : memref<128x128xf32, #tpu.memory_space<hbm>>) target_semaphore(%arg20 : memref<!tpu.dma_semaphore, #tpu.memory_space<semaphore_mem>>)
      %add3A_239 = arith.constant 3 : i32
      %add3A_240 = arith.addi %add3A_221, %add3A_239 : i32
      %lt3A_241 = arith.constant 50 : i32
      %lt3A_242 = arith.cmpi slt, %add3A_240, %lt3A_241 : i32
      %ge3A_243 = arith.constant 5 : i32
      %ge3A_244 = arith.cmpi sge, %add3A_240, %ge3A_243 : i32
      %and3A_245 = arith.andi %lt3A_242, %ge3A_244 : i1
      %convert_element_type3A_246 = arith.extui %and3A_245 : i1 to i32
      %cond3A_247 = arith.constant 0 : i32
      %cond3A_248 = arith.cmpi ne, %convert_element_type3A_246, %cond3A_247 : i32
      scf.if %cond3A_248 {
        %sub3A = arith.constant 5 : i32
        %sub3A_254 = arith.subi %add3A_240, %sub3A : i32
        %mul3A_255 = arith.constant 32 : i32
        %mul3A_256 = arith.muli %sub3A_254, %mul3A_255 : i32
        %add3A_257 = arith.addi %mul3A_256, %add3A : i32
        %dma_wait3A_258 = arith.constant 0 : i32
        %dma_wait3A_259 = arith.constant 0 : i32
        %dma_wait3A_260 = tpu.memref_slice %arg4[%add3A_257, %dma_wait3A_258, %dma_wait3A_259] : memref<1600x128x128xf32, #tpu.memory_space<hbm>> -> memref<1x128x128xf32, #tpu.memory_space<hbm>>
        %dma_wait3A_261 = tpu.memref_squeeze %dma_wait3A_260 : memref<1x128x128xf32, #tpu.memory_space<hbm>> -> memref<128x128xf32, #tpu.memory_space<hbm>>
        %dma_wait3A_262 = arith.constant 0 : i32
        %dma_wait3A_263 = arith.constant 0 : i32
        %dma_wait3A_264 = tpu.memref_slice %arg4[%add3A_257, %dma_wait3A_262, %dma_wait3A_263] : memref<1600x128x128xf32, #tpu.memory_space<hbm>> -> memref<1x128x128xf32, #tpu.memory_space<hbm>>
        %dma_wait3A_265 = tpu.memref_squeeze %dma_wait3A_264 : memref<1x128x128xf32, #tpu.memory_space<hbm>> -> memref<128x128xf32, #tpu.memory_space<hbm>>
        tpu.wait_dma2 semaphore(%arg18 : memref<!tpu.dma_semaphore, #tpu.memory_space<semaphore_mem>>) src(%arg8 : memref<128x128xf32, #tpu.memory_space<vmem>>) dst(%dma_wait3A_265 : memref<128x128xf32, #tpu.memory_space<hbm>>)
      } else {
      }
      %lt3A_249 = arith.constant 50 : i32
      %lt3A_250 = arith.cmpi slt, %add3A_240, %lt3A_249 : i32
      %convert_element_type3A_251 = arith.extui %lt3A_250 : i1 to i32
      %cond3A_252 = arith.constant 0 : i32
      %cond3A_253 = arith.cmpi ne, %convert_element_type3A_251, %cond3A_252 : i32
      scf.if %cond3A_253 {
        %dma_start3A_254 = arith.constant 0 : i32
        %dma_start3A_255 = tpu.memref_slice %arg5[%add3A_240, %dma_start3A_254] : memref<50x128xi32, #tpu.memory_space<vmem>> -> memref<1x128xi32, #tpu.memory_space<vmem>>
        %dma_start3A_256 = tpu.memref_squeeze %dma_start3A_255 : memref<1x128xi32, #tpu.memory_space<vmem>> -> memref<128xi32, #tpu.memory_space<vmem>>
        %dma_start3A_257 = arith.constant 0 : i32
        %dma_start3A_258 = arith.constant 0 : i32
        %dma_start3A_259 = tpu.memref_slice %arg3[%dma_start3A_257, %dma_start3A_258] : memref<100000x128xf32, #tpu.memory_space<hbm>> -> memref<100000x128xf32, #tpu.memory_space<hbm>>
        tpu.enqueue_indirect_dma source(%dma_start3A_259 : memref<100000x128xf32, #tpu.memory_space<hbm>>) target(%arg8 : memref<128x128xf32, #tpu.memory_space<vmem>>) offsets(%dma_start3A_256 : memref<128xi32, #tpu.memory_space<vmem>>) semaphore(%arg13 : memref<!tpu.dma_semaphore, #tpu.memory_space<semaphore_mem>>)
      } else {
      }
    }
    %scan3A_24 = arith.constant 10 : i32
    %add3A_25 = arith.constant 1440 : i32
    %add3A_26 = arith.addi %add3A_25, %add3A : i32
    %dma_wait3A = arith.constant 0 : i32
    %dma_wait3A_27 = arith.constant 0 : i32
    %dma_wait3A_28 = tpu.memref_slice %arg4[%add3A_26, %dma_wait3A, %dma_wait3A_27] : memref<1600x128x128xf32, #tpu.memory_space<hbm>> -> memref<1x128x128xf32, #tpu.memory_space<hbm>>
    %dma_wait3A_29 = tpu.memref_squeeze %dma_wait3A_28 : memref<1x128x128xf32, #tpu.memory_space<hbm>> -> memref<128x128xf32, #tpu.memory_space<hbm>>
    %dma_wait3A_30 = arith.constant 0 : i32
    %dma_wait3A_31 = arith.constant 0 : i32
    %dma_wait3A_32 = tpu.memref_slice %arg4[%add3A_26, %dma_wait3A_30, %dma_wait3A_31] : memref<1600x128x128xf32, #tpu.memory_space<hbm>> -> memref<1x128x128xf32, #tpu.memory_space<hbm>>
    %dma_wait3A_33 = tpu.memref_squeeze %dma_wait3A_32 : memref<1x128x128xf32, #tpu.memory_space<hbm>> -> memref<128x128xf32, #tpu.memory_space<hbm>>
    tpu.wait_dma2 semaphore(%arg16 : memref<!tpu.dma_semaphore, #tpu.memory_space<semaphore_mem>>) src(%arg6 : memref<128x128xf32, #tpu.memory_space<vmem>>) dst(%dma_wait3A_33 : memref<128x128xf32, #tpu.memory_space<hbm>>)
    %add3A_34 = arith.constant 1472 : i32
    %add3A_35 = arith.addi %add3A_34, %add3A : i32
    %dma_wait3A_36 = arith.constant 0 : i32
    %dma_wait3A_37 = arith.constant 0 : i32
    %dma_wait3A_38 = tpu.memref_slice %arg4[%add3A_35, %dma_wait3A_36, %dma_wait3A_37] : memref<1600x128x128xf32, #tpu.memory_space<hbm>> -> memref<1x128x128xf32, #tpu.memory_space<hbm>>
    %dma_wait3A_39 = tpu.memref_squeeze %dma_wait3A_38 : memref<1x128x128xf32, #tpu.memory_space<hbm>> -> memref<128x128xf32, #tpu.memory_space<hbm>>
    %dma_wait3A_40 = arith.constant 0 : i32
    %dma_wait3A_41 = arith.constant 0 : i32
    %dma_wait3A_42 = tpu.memref_slice %arg4[%add3A_35, %dma_wait3A_40, %dma_wait3A_41] : memref<1600x128x128xf32, #tpu.memory_space<hbm>> -> memref<1x128x128xf32, #tpu.memory_space<hbm>>
    %dma_wait3A_43 = tpu.memref_squeeze %dma_wait3A_42 : memref<1x128x128xf32, #tpu.memory_space<hbm>> -> memref<128x128xf32, #tpu.memory_space<hbm>>
    tpu.wait_dma2 semaphore(%arg17 : memref<!tpu.dma_semaphore, #tpu.memory_space<semaphore_mem>>) src(%arg7 : memref<128x128xf32, #tpu.memory_space<vmem>>) dst(%dma_wait3A_43 : memref<128x128xf32, #tpu.memory_space<hbm>>)
    %add3A_44 = arith.constant 1504 : i32
    %add3A_45 = arith.addi %add3A_44, %add3A : i32
    %dma_wait3A_46 = arith.constant 0 : i32
    %dma_wait3A_47 = arith.constant 0 : i32
    %dma_wait3A_48 = tpu.memref_slice %arg4[%add3A_45, %dma_wait3A_46, %dma_wait3A_47] : memref<1600x128x128xf32, #tpu.memory_space<hbm>> -> memref<1x128x128xf32, #tpu.memory_space<hbm>>
    %dma_wait3A_49 = tpu.memref_squeeze %dma_wait3A_48 : memref<1x128x128xf32, #tpu.memory_space<hbm>> -> memref<128x128xf32, #tpu.memory_space<hbm>>
    %dma_wait3A_50 = arith.constant 0 : i32
    %dma_wait3A_51 = arith.constant 0 : i32
    %dma_wait3A_52 = tpu.memref_slice %arg4[%add3A_45, %dma_wait3A_50, %dma_wait3A_51] : memref<1600x128x128xf32, #tpu.memory_space<hbm>> -> memref<1x128x128xf32, #tpu.memory_space<hbm>>
    %dma_wait3A_53 = tpu.memref_squeeze %dma_wait3A_52 : memref<1x128x128xf32, #tpu.memory_space<hbm>> -> memref<128x128xf32, #tpu.memory_space<hbm>>
    tpu.wait_dma2 semaphore(%arg18 : memref<!tpu.dma_semaphore, #tpu.memory_space<semaphore_mem>>) src(%arg8 : memref<128x128xf32, #tpu.memory_space<vmem>>) dst(%dma_wait3A_53 : memref<128x128xf32, #tpu.memory_space<hbm>>)
    %add3A_54 = arith.constant 1536 : i32
    %add3A_55 = arith.addi %add3A_54, %add3A : i32
    %dma_wait3A_56 = arith.constant 0 : i32
    %dma_wait3A_57 = arith.constant 0 : i32
    %dma_wait3A_58 = tpu.memref_slice %arg4[%add3A_55, %dma_wait3A_56, %dma_wait3A_57] : memref<1600x128x128xf32, #tpu.memory_space<hbm>> -> memref<1x128x128xf32, #tpu.memory_space<hbm>>
    %dma_wait3A_59 = tpu.memref_squeeze %dma_wait3A_58 : memref<1x128x128xf32, #tpu.memory_space<hbm>> -> memref<128x128xf32, #tpu.memory_space<hbm>>
    %dma_wait3A_60 = arith.constant 0 : i32
    %dma_wait3A_61 = arith.constant 0 : i32
    %dma_wait3A_62 = tpu.memref_slice %arg4[%add3A_55, %dma_wait3A_60, %dma_wait3A_61] : memref<1600x128x128xf32, #tpu.memory_space<hbm>> -> memref<1x128x128xf32, #tpu.memory_space<hbm>>
    %dma_wait3A_63 = tpu.memref_squeeze %dma_wait3A_62 : memref<1x128x128xf32, #tpu.memory_space<hbm>> -> memref<128x128xf32, #tpu.memory_space<hbm>>
    tpu.wait_dma2 semaphore(%arg19 : memref<!tpu.dma_semaphore, #tpu.memory_space<semaphore_mem>>) src(%arg9 : memref<128x128xf32, #tpu.memory_space<vmem>>) dst(%dma_wait3A_63 : memref<128x128xf32, #tpu.memory_space<hbm>>)
    %add3A_64 = arith.constant 1568 : i32
    %add3A_65 = arith.addi %add3A_64, %add3A : i32
    %dma_wait3A_66 = arith.constant 0 : i32
    %dma_wait3A_67 = arith.constant 0 : i32
    %dma_wait3A_68 = tpu.memref_slice %arg4[%add3A_65, %dma_wait3A_66, %dma_wait3A_67] : memref<1600x128x128xf32, #tpu.memory_space<hbm>> -> memref<1x128x128xf32, #tpu.memory_space<hbm>>
    %dma_wait3A_69 = tpu.memref_squeeze %dma_wait3A_68 : memref<1x128x128xf32, #tpu.memory_space<hbm>> -> memref<128x128xf32, #tpu.memory_space<hbm>>
    %dma_wait3A_70 = arith.constant 0 : i32
    %dma_wait3A_71 = arith.constant 0 : i32
    %dma_wait3A_72 = tpu.memref_slice %arg4[%add3A_65, %dma_wait3A_70, %dma_wait3A_71] : memref<1600x128x128xf32, #tpu.memory_space<hbm>> -> memref<1x128x128xf32, #tpu.memory_space<hbm>>
    %dma_wait3A_73 = tpu.memref_squeeze %dma_wait3A_72 : memref<1x128x128xf32, #tpu.memory_space<hbm>> -> memref<128x128xf32, #tpu.memory_space<hbm>>
    tpu.wait_dma2 semaphore(%arg20 : memref<!tpu.dma_semaphore, #tpu.memory_space<semaphore_mem>>) src(%arg10 : memref<128x128xf32, #tpu.memory_space<vmem>>) dst(%dma_wait3A_73 : memref<128x128xf32, #tpu.memory_space<hbm>>)
    return
  }
}

</mosaic_0001>

<sc_bundles>
// kernel: kernel.3.cloned.1.call-start
scs
__scs_entry_jumppad:
0x0: {  	(pc) =	sbr.rel $0x88, $3  }
0x1: {  	(tag) =	ssettag $0x0;
	lr =	simm.s32 $0x1  }
0x2: {  	[smem:$0x3F9F] =	sst lr;
	_ =	strace $0xD0000000  }
0x3: {  	_ = 	snop  }
0x4: {  	_ = 	snop  }
0x5: {  	_ = 	snop  }
0x6: {  	_ = 	snop  }
0x7: {  	_ = 	snop  }
__scs_overlays_trampoline_lowered:
0x8: {  	[smem:$0x3FAE] =	sst s0  }
0x9: {  	[smem:$0x3FAF] =	sst s1  }
0xa: {  	[smem:$0x3FB0] =	sst s2  }
0xb: {  	[smem:$0x3FB1] =	sst s3  }
0xc: {  	[smem:$0x3FB2] =	sst s4  }
0xd: {  	[smem:$0x3FB3] =	sst s5  }
0xe: {  	[smem:$0x3FB4] =	sst s6  }
0xf: {  	[smem:$0x3FB5] =	sst s7  }
0x10: {  	[smem:$0x3FB6] =	sst s8  }
0x11: {  	[smem:$0x3FB7] =	sst s9;
	s0 =	simm.s32 @!p0 $0x0  }
0x12: {  	s1 =	sld [smem:$0x3F9D];
	s0 =	simm.s32 @p0 $0x1  }
0x13: {  	[smem:$0x3FB8] =	sst s0;
	s0 =	simm.s32 @!p1 $0x0  }
0x14: {  	s2 =	sld [smem:$0x3F9C];
	s0 =	simm.s32 @p1 $0x1  }
0x15: {  	[smem:$0x3FB9] =	sst s0;
	s0 =	simm.s32 @!p2 $0x0  }
0x16: {  	s3 =	sld [smem:$0x3FDB];
	s0 =	simm.s32 @p2 $0x1  }
0x17: {  	s4 =	simm.s32 $0x1BF5;
	[smem:$0x3FBB] =	sst s0  }
0x18: {  	s0 =	sld [smem:$0x3F9E];
	_ =	swait.ge [sflag:s4], $0x0  }
0x19: {  	s7 =	sld [smem:$0x3F9F]  }
0x1a: {  	s8 =	sadd.s32 $0xFFFFE003, lr  }
0x1b: {  	s9 =	sadd.s32 $0xFFFFFEF7, lr;
	s5 =	simm.s32 $0xFFFFFFFF;
	p2 =	slt.u32 s8, $0xFFFFF086  }
0x1c: {  	p1 =	slt.u32 s9, $0xF7A;
	s5 =	simm.s32 @!p2 $0x0  }
0x1d: {  	s5 =	simm.s32 @p1 $0x1;
	p0 =	seq.s32 s7, s2  }
0x1e: {  	s7 =	smul.u32 @!p0 $0xF7A, s2;
	p2 =	seq.s32 @!p0 s5, $0x0  }
0x1f: {  	s9 =	smul.u32 $0xF7A, s1;
	s8 =	simm.s32 @!p0 $0x1BF5;
	p2 =	por !p2, p0  }
0x20: {  	[sflag:s8] =	ssyncset.s32 @!p0 $0xFFFFF086;
	s6 =	sadd.s32 @!p0 s3, s7;
	s7 =	simm.s32 @!p0 $0x108  }
0x21: {  	s3 =	sadd.s32 s3, s9;
	s6 =	sadd.s32 @!p0 $0x88, s6;
	s7 =	simm.s32 @p2 $0x1082  }
0x22: {  	[simem:s7], [sflag:s8] =	dma.local @!p0 [hbm:s6], $0xF7A  }
0x23: {  	s9 =	sor.u32 $0xD0000000, s2;
	s6 =	simm.s32 $0x108;
	_ =	swait.ge @!p0 [sflag:s8], $0x0  }
0x24: {  	s3 =	sadd.s32 $0x88, s3;
	s6 =	simm.s32 @!p1 $0x1082;
	[sflag:s4] =	ssyncset.s32 $0xFFFFF086  }
0x25: {  	[simem:s6], [sflag:s4] =	dma.local [hbm:s3], $0xF7A  }
0x26: {  	[smem:$0x3F9F] =	sst s1;
	(tag) =	ssettag s2;
	_ =	strace s9  }
0x27: {  	s1 =	sld [smem:$0x3FAF]  }
0x28: {  	s2 =	sld [smem:$0x3FB0]  }
0x29: {  	s4 =	sld [smem:$0x3FB2]  }
0x2a: {  	p0 =	seq.s32 s5, $0x0;
	s5 =	sld [smem:$0x3FB3]  }
0x2b: {  	s6 =	sld [smem:$0x3FB4]  }
0x2c: {  	s7 =	sld [smem:$0x3FB5]  }
0x2d: {  	s3 =	simm.s32 $0x108;
	s8 =	sld [smem:$0x3FB6]  }
0x2e: {  	s3 =	simm.s32 @!p0 $0x1082;
	s9 =	sld [smem:$0x3FB7]  }
0x2f: {  	lr =	sadd.s32 s0, s3;
	s0 =	sld [smem:$0x3FAE]  }
0x30: {  	s3 =	sld [smem:$0x3FB1]  }
0x31: {  	[smem:$0x3FBA] =	sst s10  }
0x32: {  	s10 =	sld [smem:$0x3FB8];
	_ =	sdelay $0x3  }
0x33: {  	p0 =	seq.s32 s10, $0x1;
	s10 =	sld [smem:$0x3FBA];
	_ =	sdelay $0x3  }
0x34: {  	[smem:$0x3FBA] =	sst s10  }
0x35: {  	s10 =	sld [smem:$0x3FB9];
	_ =	sdelay $0x3  }
0x36: {  	p1 =	seq.s32 s10, $0x1;
	s10 =	sld [smem:$0x3FBA];
	_ =	sdelay $0x3  }
0x37: {  	[smem:$0x3FBA] =	sst s10  }
0x38: {  	s10 =	sld [smem:$0x3FBB]  }
0x39: {  	_ = 	snop;
	(pc) =	sbr.ind lr, $3  }
0x3a: {  	_ = 	snop  }
0x3b: {  	_ = 	snop  }
0x3c: {  	p2 =	seq.s32 s10, $0x1;
	s10 =	sld [smem:$0x3FBA]  }
0x3d: {  	_ =	shalt  }
0x3e: {  	_ =	shalt  }
0x3f: {  	_ =	shalt  }
0x40: {  	_ =	shalt  }
0x41: {  	_ =	shalt  }
0x42: {  	_ =	shalt  }
0x43: {  	_ =	shalt  }
0x44: {  	_ =	shalt  }
0x45: {  	_ =	shalt  }
0x46: {  	_ =	shalt  }
0x47: {  	_ =	shalt  }
0x48: {  	_ =	shalt  }
0x49: {  	_ =	shalt  }
0x4a: {  	_ =	shalt  }
0x4b: {  	_ =	shalt  }
0x4c: {  	_ =	shalt  }
0x4d: {  	_ =	shalt  }
0x4e: {  	_ =	shalt  }
0x4f: {  	_ =	shalt  }
0x50: {  	_ =	shalt  }
0x51: {  	_ =	shalt  }
0x52: {  	_ =	shalt  }
0x53: {  	_ =	shalt  }
0x54: {  	_ =	shalt  }
0x55: {  	_ =	shalt  }
0x56: {  	_ =	shalt  }
0x57: {  	_ =	shalt  }
0x58: {  	_ =	shalt  }
0x59: {  	_ =	shalt  }
0x5a: {  	_ =	shalt  }
0x5b: {  	_ =	shalt  }
0x5c: {  	_ =	shalt  }
0x5d: {  	_ =	shalt  }
0x5e: {  	_ =	shalt  }
0x5f: {  	_ =	shalt  }
0x60: {  	_ =	shalt  }
0x61: {  	_ =	shalt  }
0x62: {  	_ =	shalt  }
0x63: {  	_ =	shalt  }
0x64: {  	_ =	shalt  }
0x65: {  	_ =	shalt  }
0x66: {  	_ =	shalt  }
0x67: {  	_ =	shalt  }
0x68: {  	_ =	shalt  }
0x69: {  	_ =	shalt  }
0x6a: {  	_ =	shalt  }
0x6b: {  	_ =	shalt  }
0x6c: {  	_ =	shalt  }
0x6d: {  	_ =	shalt  }
0x6e: {  	_ =	shalt  }
0x6f: {  	_ =	shalt  }
0x70: {  	_ =	shalt  }
0x71: {  	_ =	shalt  }
0x72: {  	_ =	shalt  }
0x73: {  	_ =	shalt  }
0x74: {  	_ =	shalt  }
0x75: {  	_ =	shalt  }
0x76: {  	_ =	shalt  }
0x77: {  	_ =	shalt  }
0x78: {  	_ =	shalt  }
0x79: {  	_ =	shalt  }
0x7a: {  	_ =	shalt  }
0x7b: {  	_ =	shalt  }
0x7c: {  	_ =	shalt  }
0x7d: {  	_ =	shalt  }
0x7e: {  	_ =	shalt  }
0x7f: {  	_ =	shalt  }
0x80: {  	_ =	shalt  }
0x81: {  	_ =	shalt  }
0x82: {  	_ =	shalt  }
0x83: {  	_ =	shalt  }
0x84: {  	_ =	shalt  }
0x85: {  	_ =	shalt  }
0x86: {  	_ =	shalt  }
0x87: {  	_ =	shalt  }
.Lfunc_end0:
.L_simem_size_0:
called_computation_lowered:
.L_overlay_start_0:
0x88: {  	s2 =	sld [smem:$0x3FD9]  }
0x89: {  	s3 =	sld [smem:$0x3FFE];
	_ =	sdelay $0x1  }
0x8a: {  	s1 =	srdreg.scid  }
0x8b: {  	s0 =	sand.u32 $0x1, s1  }
0x8c: {  	s17 =	sshll.u32 s0, $0xA;
	s2 =	sadd.s32 s3, s2  }
0x8d: {  	s2 =	sadd.s32 s2, s17  }
0x8e: {  	[smem:$0x3FC6] =	sst s2  }
0x8f: {  	_ = 	snop  }
0x90: {  	s2 =	sld [smem:$0x3FC8]  }
0x91: {  	s18 =	sld [smem:$0x3FD0];
	(tm) =	ssettm $0x1  }
0x92: {  	s4 =	sld [smem:$0x3FFB];
	_ =	sdelay $0x3  }
0x93: {  	_ =	strace s4  }
0x94: {  	s4 =	sld [smem:$0x3FFC];
	_ =	sdelay $0x3  }
0x95: {  	_ =	strace s4  }
0x96: {  	s4 =	sld [smem:$0x3FFD];
	_ =	sdelay $0x3  }
0x97: {  	_ =	strace s4  }
0x98: {  	_ =	strace $0x8FFFFFFF  }
0x99: {  	s19 =	sld [smem:$0x3FDB];
	_ =	sdelay $0x1  }
0x9a: {  	s5 =	simm.s32 $_scs_section_size  }
0x9b: {  	s6 =	simm.s32 $_size__tile_overlayer_lowered;
	s7 =	simm.s32 $_tile_overlayer_lowered  }
0x9c: {  	s22 =	simm.s32 $0x1BFF;
	s21 =	sshll.u32 s7, $0x1;
	s4 =	sadd.s32 s5, s19  }
0x9d: {  	s8 =	simm.s32 $0x0;
	s20 =	sshll.u32 s6, $0x1;
	s6 =	sadd.s32 s21, s4  }
0x9e: {  	[timem:s8], [sflag:s22] =	dma.local [hbm:s6], s20  }
0x9f: {  	_ =	swait.ge [sflag:s22], s20  }
0xa0: {  	s5 =	ssub.s32 $0x0, s20;
	[sflag:s22] =	ssyncset.done $0x0  }
0xa1: {  	[sflag:s22] =	ssyncadd.s32 s5;
	_ =	sdelay $0x1  }
0xa2: {  	s23 =	simm.s32 $0x1B8B  }
0xa3: {  	_ =	swait.ge [sflag:s23], $0x1  }
0xa4: {  	[sflag:s23] =	ssyncset.done $0x0  }
0xa5: {  	s25 =	simm.s32 $0x1B8E;
	s24 =	sld [smem:$0x3FFE];
	[sflag:s23] =	ssyncadd.s32 $0xFFFFFFFF  }
0xa6: {  	s26 =	simm.s32 $execute0_lowered;
	[smem:$0x3FD2] =	sst s25  }
0xa7: {  	s6 =	sshll.u32 s26, $0x1;
	_ =	strace $0x80000046;
	[dreg:$0x1] =	wrdreg $0xFFFFFFFF  }
0xa8: {  	s28 =	simm.s32 $_size_execute0_lowered;
	s4 =	sadd.s32 s4, s6;
	[dreg:$0x0] =	wrdreg $0x0  }
0xa9: {  	s6 =	sshll.u32 s28, $0x1;
	[dreg:$0x2] =	wrdreg s4  }
0xaa: {  	[dreg:$0x3] =	wrdreg s6  }
0xab: {  	[dreg:$0x4] =	wrdreg $0xC0  }
0xac: {  	_ =	task [dreg:s8], $0x5FFFF  }
0xad: {  	[dreg:$0x1] =	wrdreg $0xFFFFFFFF  }
0xae: {  	[dreg:$0x0] =	wrdreg $0x60  }
0xaf: {  	[dreg:$0x2] =	wrdreg s24  }
0xb0: {  	[dreg:$0x3] =	wrdreg s2  }
0xb1: {  	[dreg:$0x4] =	wrdreg s18  }
0xb2: {  	[dreg:$0x5] =	wrdreg $0x9  }
0xb3: {  	_ =	task.clear_ibuf [dreg:s8], $0x6FFFF;
	_ =	strace $0x90000046  }
0xb4: {  	s29 =	simm.s32 $0x9;
	_ =	strace $0x80000048  }
0xb5: {  	_ =	swait.ge [sflag:s29], $0x1  }
0xb6: {  	[sflag:s29] =	ssyncadd.s32 $0xFFFFFFFF  }
0xb7: {  	_ =	strace $0x90000048  }
0xb8: {  	_ =	sfence  }
0xb9: {  	s30 =	sld [smem:$0x0];
	_ =	sdelay $0x2  }
0xba: {  	s31 =	sshll.u32 s1, $0xD;
	s1 =	sshrl.u32 s1, $0x2  }
0xbb: {  	s3 =	sand.u32 $0x4000, s31;
	s1 =	sadd.s32 s1, s30  }
0xbc: {  	s0 =	sor.u32 s3, s0;
	s1 =	sshll.u32 s1, $0x11  }
0xbd: {  	s0 =	sor.u32 s1, s0  }
0xbe: {  	s0 =	sadd.s32 $0x8F2B, s0  }
0xbf: {  	[sflag:s0] =	ssyncadd.remote.s32 $0x1  }
0xc0: {  	_ =	sfence.sel $0xFFFF  }
0xc1: {  	[dreg:$0x0] =	wrdreg $0xFFFFFFFF;
	(pc) =	sbr.abs _section_cstart, $3  }
0xc2: {  	[dreg:$0x1] =	wrdreg $0xFFFFFFFF  }
0xc3: {  	_ =	task.clear_ibuf [dreg:s8], $0x2FFFF;
	_ =	strace $0x9FFFFFFF  }
0xc4: {  	(tm) =	ssettm $0x7FFFFFFF  }
0xc5: {  	_ =	shalt  }
tec
execute0_lowered:
.L_overlay_start_1:
0x0: {  	(tag) =	ssettag $0x1  }
0x1: {  	s0 =	rddreg [dreg:$0x0]  }
0x2: {  	s2 =	rddreg [dreg:$0x1]  }
0x3: {  	s1 =	rddreg [dreg:$0x2];
	s4 =	srdreg.scid  }
0x4: {  	s9 =	stileid.u32;
	s3 =	simm.s32 $0x0;
	s11 =	simm.s32 $0xB  }
0x5: {  	s12 =	simm.s32 $0x1C00;
	s13 =	simm.s32 $0x5C00;
	s14 =	simm.s32 $0x100  }
0x6: {  	s15 =	simm.s32 $0x9C00;
	s16 =	simm.s32 $0x1;
	s17 =	simm.s32 $0xDC00  }
0x7: {  	s18 =	simm.s32 $0x2;
	s19 =	simm.s32 $0x11C00;
	s20 =	simm.s32 $0x3  }
0x8: {  	s21 =	simm.s32 $0x4;
	s22 =	simm.s32 $0x5;
	s23 =	simm.s32 $0x6  }
0x9: {  	s28 =	simm.s32 $0xA;
	s29 =	simm.s32 $0x0;
	s8 =	sand.u32 $0x1, s4  }
0xa: {  	s24 =	sshll.u32 s9, $0x1;
	[smem:$0x7FF] =	sst s3;
	s9 =	sshll.u32 s9, $0xC  }
0xb: {  	s4 =	sor.u32 s8, s24;
	_ =	strace $0x80000047;
	s6 =	ssub.s32 $0x2, s8  }
0xc: {  	s30 =	sadd.s32 s9, s1;
	s31 =	sshll.u32 s8, $0xB;
	s9 =	simm.s32 $0x80  }
.Ltmp0:
0xd: {  	s24 =	simm.s32 $0x7;
	s5 =	sshll.u32 s4, $0x4;
	(pc) =	sbr.rel .LBB2_1-.Ltmp0, $4  }
0xe: {  	s25 =	sshrl.u32 s6, $0x1;
	s7 =	sshll.u32 s4, $0xB;
	s8 =	sadd.s32 s31, s30  }
0xf: {  	s0 =	sadd.s32 s5, s0;
	s6 =	ssub.s32 s6, s25;
	s26 =	sadd.s32 s1, s7  }
0x10: {  	s25 =	simm.s32 $0x8;
	s4 =	sadd.s32 $0x400, s0;
	s5 =	sadd.s32 $0x310000, s26  }
0x11: {  	s6 =	smax.u32 s6, $0x1;
	s7 =	sadd.s32 $0x300000, s26;
	s26 =	simm.s32 $0x9  }
.LBB2_4:
0x12: {  	_ =	swait.ge [sflag:s21], $0x4000  }
0x13: {  	[sflag:s21] =	ssyncset.done $0x0  }
0x14: {  	[sflag:s21] =	ssyncadd.s32 $0xFFFFC000  }
0x15: {  	[hbm4b:s7+s3] =	stream.linear.scatter [tilespmem:s17], [sflag:$0x9], $0x4000, $0x38;
	[tilespmem:$0x15C00] =	vst v63  }
0x16: {  	_ =	swait.ge [sflag:s22], $0x4000  }
0x17: {  	[sflag:s22] =	ssyncset.done $0x0  }
0x18: {  	[sflag:s22] =	ssyncadd.s32 $0xFFFFC000  }
0x19: {  	[hbm4b:s5+s3] =	stream.linear.scatter [tilespmem:s19], [sflag:$0xA], $0x4000, $0x38;
	[tilespmem:$0x15C00] =	vst v63  }
0x1a: {  	_ =	swait.ge [sflag:s23], $0x4000  }
0x1b: {  	[sflag:s23] =	ssyncset.done $0x0  }
0x1c: {  	[sflag:s23] =	ssyncadd.s32 $0xFFFFC000  }
0x1d: {  	_ =	swait.ge [sflag:s24], $0x4000  }
0x1e: {  	[sflag:s24] =	ssyncset.done $0x0  }
0x1f: {  	[sflag:s24] =	ssyncadd.s32 $0xFFFFC000  }
0x20: {  	_ =	swait.ge [sflag:s25], $0x4000  }
0x21: {  	[sflag:s25] =	ssyncset.done $0x0  }
0x22: {  	s29 =	sadd.s32 $0x1, s29;
	[sflag:s25] =	ssyncadd.s32 $0xFFFFC000  }
0x23: {  	p0 =	sne.s32 s29, s6;
	_ =	swait.ge [sflag:s26], $0x4000  }
.Ltmp1:
0x24: {  	[sflag:s26] =	ssyncset.done $0x0;
	(pc) =	sbr.rel @!p0 .LBB2_5-.Ltmp1, $4  }
0x25: {  	[sflag:s26] =	ssyncadd.s32 $0xFFFFC000  }
0x26: {  	_ =	swait.ge [sflag:s28], $0x4000  }
0x27: {  	[sflag:s28] =	ssyncset.done $0x0  }
0x28: {  	[sflag:s28] =	ssyncadd.s32 $0xFFFFC000  }
.LBB2_1:
0x29: {  	s0 =	simm.s32 $0x1000  }
0x2a: {  	[tilespmem:s3], [sflag:$0xB] =	stream.strided.gather [hbm4b:s4+s9], $0x1900, s0, s9, $0x38;
	[tilespmem:$0x15C00] =	vst v63  }
0x2b: {  	_ =	swait.ge [sflag:s11], $0x1900  }
0x2c: {  	[sflag:s11] =	ssyncset.done $0x0  }
0x2d: {  	[sflag:s11] =	ssyncadd.s32 $0xFFFFE700  }
0x2e: {  	[tilespmem:s12], [sflag:$0x1] =	stream.indirect.gather [hbm4b:s2+s9], $0x80, s3, s9, $0xb8;
	[tilespmem:$0x15C00] =	vst v63  }
0x2f: {  	_ = 	snop  }
0x30: {  	[tilespmem:s13], [sflag:$0x2] =	stream.indirect.gather [hbm4b:s2+s9], $0x80, s9, s9, $0xb8;
	[tilespmem:$0x15C00] =	vst v63  }
0x31: {  	s30 =	simm.s32 $0xFFFFFFFE;
	s31 =	smov.u32 s8;
	s0 =	simm.s32 $0x0  }
0x32: {  	[tilespmem:s15], [sflag:$0x3] =	stream.indirect.gather [hbm4b:s2+s9], $0x80, s14, s9, $0xb8;
	[tilespmem:$0x15C00] =	vst v63  }
.LBB2_2:
0x33: {  	_ =	swait.ge [sflag:s16], $0x4000  }
0x34: {  	p0 =	sgt.u32 s30, $0x2C;
	[sflag:s16] =	ssyncset.done $0x0  }
0x35: {  	s10 =	simm.s32 @!p0 $0x9;
	[sflag:s16] =	ssyncadd.s32 $0xFFFFC000  }
0x36: {  	[hbm4b:s31+s3] =	stream.linear.scatter [tilespmem:s12], [sflag:$0x6], $0x4000, $0x38;
	[tilespmem:$0x15C00] =	vst v63  }
0x37: {  	_ =	swait.ge @!p0 [sflag:s10], $0x4000  }
0x38: {  	s1 =	sshra.s32 s0, $0x2;
	[sflag:s10] =	ssyncset.done @!p0 $0x0  }
0x39: {  	[sflag:s10] =	ssyncadd.s32 @!p0 $0xFFFFC000;
	s10 =	sadd.s32 $0x180, s1  }
0x3a: {  	[tilespmem:s17], [sflag:$0x4] =	stream.indirect.gather [hbm4b:s2+s9], $0x80, s10, s9, $0xb8;
	[tilespmem:$0x15C00] =	vst v63  }
0x3b: {  	_ =	swait.ge [sflag:s18], $0x4000  }
0x3c: {  	[sflag:s18] =	ssyncset.done $0x0  }
0x3d: {  	s10 =	sadd.s32 $0x10000, s31;
	[sflag:s18] =	ssyncadd.s32 $0xFFFFC000  }
0x3e: {  	[hbm4b:s10+s3] =	stream.linear.scatter [tilespmem:s13], [sflag:$0x7], $0x4000, $0x38;
	[tilespmem:$0x15C00] =	vst v63  }
0x3f: {  	s10 =	sadd.s32 $0x1, s30  }
0x40: {  	p0 =	sgt.u32 s10, $0x2C  }
0x41: {  	s10 =	simm.s32 @!p0 $0xA  }
0x42: {  	_ =	swait.ge @!p0 [sflag:s10], $0x4000  }
0x43: {  	[sflag:s10] =	ssyncset.done @!p0 $0x0  }
0x44: {  	[sflag:s10] =	ssyncadd.s32 @!p0 $0xFFFFC000;
	s10 =	sadd.s32 $0x200, s1;
	p0 =	seq.s32 s0, $0x5A00  }
0x45: {  	[tilespmem:s19], [sflag:$0x5] =	stream.indirect.gather [hbm4b:s2+s9], $0x80, s10, s9, $0xb8;
	[tilespmem:$0x15C00] =	vst v63  }
.Ltmp2:
0x46: {  	_ = 	snop;
	(pc) =	sbr.rel @p0 .LBB2_4-.Ltmp2, $4  }
0x47: {  	_ =	swait.ge [sflag:s20], $0x4000  }
0x48: {  	[sflag:s20] =	ssyncset.done $0x0  }
0x49: {  	s10 =	sadd.s32 $0x20000, s31;
	[sflag:s20] =	ssyncadd.s32 $0xFFFFC000  }
0x4a: {  	[hbm4b:s10+s3] =	stream.linear.scatter [tilespmem:s15], [sflag:$0x8], $0x4000, $0x38;
	[tilespmem:$0x15C00] =	vst v63  }
0x4b: {  	_ =	swait.ge [sflag:s23], $0x4000  }
0x4c: {  	[sflag:s23] =	ssyncset.done $0x0  }
0x4d: {  	s10 =	sadd.s32 $0x280, s1;
	[sflag:s23] =	ssyncadd.s32 $0xFFFFC000  }
0x4e: {  	[tilespmem:s12], [sflag:$0x1] =	stream.indirect.gather [hbm4b:s2+s9], $0x80, s10, s9, $0xb8;
	[tilespmem:$0x15C00] =	vst v63  }
0x4f: {  	_ =	swait.ge [sflag:s21], $0x4000  }
0x50: {  	[sflag:s21] =	ssyncset.done $0x0  }
0x51: {  	s10 =	sadd.s32 $0x30000, s31;
	[sflag:s21] =	ssyncadd.s32 $0xFFFFC000  }
0x52: {  	[hbm4b:s10+s3] =	stream.linear.scatter [tilespmem:s17], [sflag:$0x9], $0x4000, $0x38;
	[tilespmem:$0x15C00] =	vst v63  }
0x53: {  	_ =	swait.ge [sflag:s24], $0x4000  }
0x54: {  	[sflag:s24] =	ssyncset.done $0x0  }
0x55: {  	s10 =	sadd.s32 $0x300, s1;
	[sflag:s24] =	ssyncadd.s32 $0xFFFFC000  }
0x56: {  	[tilespmem:s13], [sflag:$0x2] =	stream.indirect.gather [hbm4b:s2+s9], $0x80, s10, s9, $0xb8;
	[tilespmem:$0x15C00] =	vst v63  }
0x57: {  	_ =	swait.ge [sflag:s22], $0x4000  }
0x58: {  	[sflag:s22] =	ssyncset.done $0x0  }
0x59: {  	s10 =	sadd.s32 $0x40000, s31;
	[sflag:s22] =	ssyncadd.s32 $0xFFFFC000  }
0x5a: {  	[hbm4b:s10+s3] =	stream.linear.scatter [tilespmem:s19], [sflag:$0xA], $0x4000, $0x38;
	[tilespmem:$0x15C00] =	vst v63  }
.Ltmp3:
0x5b: {  	_ = 	snop;
	(pc) =	sbr.rel .LBB2_2-.Ltmp3, $4  }
0x5c: {  	_ =	swait.ge [sflag:s25], $0x4000  }
0x5d: {  	s0 =	sadd.s32 $0xA00, s0;
	s30 =	sadd.s32 $0x5, s30;
	[sflag:s25] =	ssyncset.done $0x0  }
0x5e: {  	s31 =	sadd.s32 $0x50000, s31;
	s10 =	sadd.s32 $0x380, s1;
	[sflag:s25] =	ssyncadd.s32 $0xFFFFC000  }
0x5f: {  	[tilespmem:s15], [sflag:$0x3] =	stream.indirect.gather [hbm4b:s2+s9], $0x80, s10, s9, $0xb8;
	[tilespmem:$0x15C00] =	vst v63  }
.LBB2_5:
0x60: {  	_ =	sfence.sel $0x180000  }
0x61: {  	[bflag:$0x0] =	sbarrier.arrive $0xFFFF  }
0x62: {  	_ =	strace $0x90000047  }
0x63: {  	s0 =	stileid.u32;
	[bflag:$0x2] =	sbarrier.arrive $0xFFFF  }
0x64: {  	p0 =	sne.s32 s0, $0x0;
	s0 =	rddreg [dreg:$0x3]  }
0x65: {  	s0 =	sadd.s32 @!p0 $0x100000, s0  }
0x66: {  	[sflag:s0] =	ssyncadd.tile.s32 @!p0 $0x1;
	_ =	shalt  }
.Lfunc_end2:
_tile_overlayer_lowered:
.L_overlay_start_2:
0x67: {  	(tag) =	ssettag $0x2  }
0x68: {  	s0 =	rddreg [dreg:$0x0];
	s2 =	stileid.u32  }
0x69: {  	s1 =	rddreg [dreg:$0x1];
	p0 =	sne.s32 s2, $0x0  }
0x6a: {  	s3 =	rddreg [dreg:$0x2];
	[bflag:$0x3] =	sbarrier.arrive $0xFFFF;
	s2 =	simm.s32 @!p0 $0x1C0B  }
0x6b: {  	[timem:s3], [sflag:s2] =	dma.local @!p0 [hbm:s0], s1  }
0x6c: {  	s0 =	simm.s32 @!p0 $0xB  }
0x6d: {  	_ =	swait.ge @!p0 [sflag:s0], s1  }
0x6e: {  	s1 =	ssub.s32 @!p0 $0x0, s1;
	[sflag:s0] =	ssyncset.done @!p0 $0x0  }
0x6f: {  	[sflag:s0] =	ssyncadd.s32 @!p0 s1  }
0x70: {  	[bflag:$0x3] =	sbarrier.arrive $0xFFFF  }
0x71: {  	_ =	shalt  }

</sc_bundles>
